<compile_context>
chip_gen: v7x
topology: tpu7x:2x2x1
jax: 0.10.2.dev20260603
libtpu: 0.0.44.dev20260713+nightly
codegen_flags: <defaults>
</compile_context>

<pallas_src>
import functools

import jax
import jax.numpy as jnp
from jax import lax
from jax.experimental import pallas as pl
from jax.experimental.pallas import tpu as pltpu
from jax.experimental.pallas import tpu_sc as plsc

_K = 512
_C = 32
_N = 8192
_BLK = 4096
_DPAD = 128


def _rowsum_ref_order(sq):
    p = ((sq[:, 0:8] + sq[:, 8:16]) + sq[:, 16:24]) + sq[:, 24:32]
    t = p[:, 0:4] + p[:, 4:8]
    u = t[:, 0:2] + t[:, 2:4]
    return u[:, 0:1] + u[:, 1:2]


def _dot_t(a, b):
    return lax.dot_general(a, b, (((1,), (1,)), ((), ())),
                           preferred_element_type=jnp.float32)


def _dot(a, b):
    return lax.dot_general(a, b, (((1,), (0,)), ((), ())),
                           preferred_element_type=jnp.float32)


def _vq_block(x_ref, emb_ref, ind_ref, tab_ref):
    x = x_ref[...]
    emb = emb_ref[...]
    bf = jnp.bfloat16
    eh1 = emb.astype(bf)
    r1 = emb - eh1.astype(jnp.float32)
    eh2 = r1.astype(bf)
    eh3 = (r1 - eh2.astype(jnp.float32)).astype(bf)
    xh1 = x.astype(bf)
    xh2 = (x - xh1.astype(jnp.float32)).astype(bf)
    ones = jnp.ones((_BLK, _C), bf)
    ee = emb * emb
    ee1 = ee.astype(bf)
    ee2 = (ee - ee1.astype(jnp.float32)).astype(bf)
    a_cat = jnp.concatenate([ones, ones, xh1, xh1, xh2, xh1, xh2], axis=1)
    b_cat = jnp.concatenate([ee1, ee2, -2.0 * eh1, -2.0 * eh2, -2.0 * eh1,
                             -2.0 * eh3, -2.0 * eh2], axis=1)
    approx = _dot_t(a_cat, b_cat)
    iota = lax.broadcasted_iota(jnp.int32, approx.shape, 1)
    m1 = jnp.min(approx, axis=1, keepdims=True)
    i1 = jnp.min(jnp.where(approx == m1, iota, _K), axis=1, keepdims=True)
    masked = jnp.where(iota == i1, jnp.inf, approx)
    m2 = jnp.min(masked, axis=1, keepdims=True)
    i2 = jnp.min(jnp.where(masked == m2, iota, _K), axis=1, keepdims=True)
    oh1 = (iota == i1).astype(bf)
    oh2 = (iota == i2).astype(bf)
    limbs = jnp.concatenate([eh1, eh2, eh3], axis=1)
    r1 = _dot(oh1, limbs)
    r2 = _dot(oh2, limbs)
    e1 = (r1[:, 0:_C] + r1[:, _C:2 * _C]) + r1[:, 2 * _C:3 * _C]
    e2 = (r2[:, 0:_C] + r2[:, _C:2 * _C]) + r2[:, 2 * _C:3 * _C]
    d1 = _rowsum_ref_order((x - e1) ** 2)
    d2 = _rowsum_ref_order((x - e2) ** 2)
    take2 = (d2 < d1) | ((d2 == d1) & (i2 < i1))
    ind_ref[...] = jnp.where(take2, i2, i1)
    @pl.when(pl.program_id(0) == 0)
    def _write_table():
        tab_ref[...] = jnp.pad(emb, ((0, 0), (0, _DPAD - _C)))


def _vq_indices(xf, embed):
    ind = pl.pallas_call(
        _vq_block,
        grid=(_N // _BLK,),
        in_specs=[
            pl.BlockSpec((_BLK, _C), lambda i: (i, 0)),
            pl.BlockSpec((_K, _C), lambda i: (0, 0)),
        ],
        out_specs=[pl.BlockSpec((_BLK, 1), lambda i: (i, 0)),
                   pl.BlockSpec((_K, _DPAD), lambda i: (0, 0))],
        out_shape=[jax.ShapeDtypeStruct((_N, 1), jnp.int32),
                   jax.ShapeDtypeStruct((_K, _DPAD), jnp.float32)],
    )(xf, embed)
    return ind



@functools.lru_cache(maxsize=None)
def _sc_gather_fn():
    info = plsc.get_sparse_core_info()
    nc, ns = info.num_cores, info.num_subcores
    bpw = _N // (nc * ns)
    mesh = plsc.VectorSubcoreMesh(core_axis_name="c", subcore_axis_name="s")

    @functools.partial(
        pl.kernel, mesh=mesh,
        out_type=jax.ShapeDtypeStruct((_N, _DPAD), jnp.float32),
        scratch_types=[
            pltpu.VMEM((bpw,), jnp.int32),
            pltpu.VMEM((bpw, _DPAD), jnp.float32),
            pltpu.SemaphoreType.DMA,
        ],
    )
    def gather(idx_hbm, table_hbm, out_hbm, idx_v, rows_v, sem):
        wid = lax.axis_index("s") * nc + lax.axis_index("c")
        base = wid * bpw
        pltpu.sync_copy(idx_hbm.at[pl.ds(base, bpw)], idx_v)
        pltpu.async_copy(table_hbm.at[idx_v], rows_v, sem).wait()
        pltpu.sync_copy(rows_v, out_hbm.at[pl.ds(base, bpw)])

    return gather


@jax.jit
def _vq(x, embed):
    xf = x.reshape(_N, _C)
    ind, table = _vq_indices(xf, embed)
    qpad = _sc_gather_fn()(ind.reshape(_N), table)
    return qpad[:, :_C], ind


def kernel(x, embed):
    B, T, C = x.shape
    q, ind = _vq(x, embed)
    return q.reshape(B, T, C), ind.reshape(B, T)

# --- scband reference (transcript-rebuilt; emitter-appended) ---
"""Pipeline reference for scband-euclidean-codebook-49271864820017 (READ-ONLY COPY).

The authoritative reference and input builder live on the scoring server;
editing this copy changes nothing except your own understanding.
"""

import jax, jax.numpy as jnp
import numpy as np


def setup_inputs(seed: int = 0) -> dict:
    key = jax.random.key(seed)
    k1, k2 = jax.random.split(key)
    x = jax.random.normal(k1, (8, 1024, 32), dtype=jnp.float32)
    embed = jax.random.normal(k2, (512, 32), dtype=jnp.float32)
    return {"x": x, "embed": embed}


def reference(x, embed):
    # Faithful translation of EuclideanCodebook.forward
    B, T, C = x.shape
    flatten = x.reshape(B * T, C, 1)            # [N, C, 1]
    e = jnp.transpose(embed)[None, :, :]        # [1, C, K]
    distance = -jnp.sum((flatten - e) ** 2, axis=1)  # [N, K]
    embed_ind = jnp.argmax(distance, axis=-1)   # max(dim=-1).indices
    embed_ind = embed_ind.reshape(B, T)
    quantized = jnp.take(embed, embed_ind, axis=0)   # F.embedding
    return (quantized, embed_ind)

if __name__ == "__main__":
    import jax
    _d = setup_inputs()
    print(jax.jit(kernel)(*tuple(_d.values())))

</pallas_src>

<mosaic_0001>
#map = affine_map<(d0, d1) -> (0)>
#map1 = affine_map<(d0, d1) -> (0, 0)>
module attributes {stable_mosaic.version = 14 : i64} {
  func.func @gather(%arg0: i32, %arg1: i32, %arg2: memref<8192xi32, #tpu.memory_space<hbm>>, %arg3: memref<512x128xf32, #tpu.memory_space<hbm>>, %arg4: memref<8192x128xf32, #tpu.memory_space<hbm>>, %arg5: memref<256xi32, #tpu.memory_space<vmem>>, %arg6: memref<256x128xf32, #tpu.memory_space<vmem>>, %arg7: memref<!tpu.dma_semaphore, #tpu.memory_space<semaphore_mem>>) attributes {dimension_semantics = [#tpu.dimension_semantics<core_parallel>, #tpu.dimension_semantics<subcore_parallel>], iteration_bounds = array<i64: 2, 16>, scalar_prefetch = 0 : i64, scratch_operands = 3 : i64, tpu.core_type = #tpu.core_type<sc_vector_subcore>, window_params = [{transform_indices = #map}, {transform_indices = #map1}, {transform_indices = #map1}]} {
    %mul3A = arith.constant 2 : i32
    %mul3A_0 = arith.muli %arg1, %mul3A : i32
    %add3A = arith.addi %mul3A_0, %arg0 : i32
    %mul3A_1 = arith.constant 256 : i32
    %mul3A_2 = arith.muli %add3A, %mul3A_1 : i32
    "tpu.region"() ({
      %run_scoped3A = tpu.sem_alloc : memref<!tpu.dma_semaphore, #tpu.memory_space<semaphore_mem>>
      %dma_start3A_7 = tpu.memref_slice %arg2[%mul3A_2] : memref<8192xi32, #tpu.memory_space<hbm>> -> memref<256xi32, #tpu.memory_space<hbm>>
      %dma_start3A_8 = tpu.memref_slice %arg2[%mul3A_2] : memref<8192xi32, #tpu.memory_space<hbm>> -> memref<256xi32, #tpu.memory_space<hbm>>
      tpu.enqueue_dma source(%dma_start3A_8 : memref<256xi32, #tpu.memory_space<hbm>>) target(%arg5 : memref<256xi32, #tpu.memory_space<vmem>>) target_semaphore(%run_scoped3A : memref<!tpu.dma_semaphore, #tpu.memory_space<semaphore_mem>>)
      %dma_wait3A_9 = tpu.memref_slice %arg2[%mul3A_2] : memref<8192xi32, #tpu.memory_space<hbm>> -> memref<256xi32, #tpu.memory_space<hbm>>
      %dma_wait3A_10 = tpu.memref_slice %arg2[%mul3A_2] : memref<8192xi32, #tpu.memory_space<hbm>> -> memref<256xi32, #tpu.memory_space<hbm>>
      tpu.wait_dma2 semaphore(%run_scoped3A : memref<!tpu.dma_semaphore, #tpu.memory_space<semaphore_mem>>) src(%dma_wait3A_10 : memref<256xi32, #tpu.memory_space<hbm>>) dst(%arg5 : memref<256xi32, #tpu.memory_space<vmem>>)
      tpu.yield
    }) : () -> ()
    %dma_start3A = arith.constant 0 : i32
    %dma_start3A_3 = arith.constant 0 : i32
    %dma_start3A_4 = tpu.memref_slice %arg3[%dma_start3A, %dma_start3A_3] : memref<512x128xf32, #tpu.memory_space<hbm>> -> memref<512x128xf32, #tpu.memory_space<hbm>>
    tpu.enqueue_indirect_dma source(%dma_start3A_4 : memref<512x128xf32, #tpu.memory_space<hbm>>) target(%arg6 : memref<256x128xf32, #tpu.memory_space<vmem>>) offsets(%arg5 : memref<256xi32, #tpu.memory_space<vmem>>) semaphore(%arg7 : memref<!tpu.dma_semaphore, #tpu.memory_space<semaphore_mem>>)
    %dma_wait3A = arith.constant 0 : i32
    %dma_wait3A_5 = arith.constant 0 : i32
    %dma_wait3A_6 = tpu.memref_slice %arg3[%dma_wait3A, %dma_wait3A_5] : memref<512x128xf32, #tpu.memory_space<hbm>> -> memref<512x128xf32, #tpu.memory_space<hbm>>
    tpu.wait_indirect_dma semaphore(%arg7 : memref<!tpu.dma_semaphore, #tpu.memory_space<semaphore_mem>>) src(%dma_wait3A_6 : memref<512x128xf32, #tpu.memory_space<hbm>>) dst(%arg6 : memref<256x128xf32, #tpu.memory_space<vmem>>)
    "tpu.region"() ({
      %run_scoped3A = tpu.sem_alloc : memref<!tpu.dma_semaphore, #tpu.memory_space<semaphore_mem>>
      %dma_start3A_7 = arith.constant 0 : i32
      %dma_start3A_8 = tpu.memref_slice %arg4[%mul3A_2, %dma_start3A_7] : memref<8192x128xf32, #tpu.memory_space<hbm>> -> memref<256x128xf32, #tpu.memory_space<hbm>>
      %dma_start3A_9 = arith.constant 0 : i32
      %dma_start3A_10 = tpu.memref_slice %arg4[%mul3A_2, %dma_start3A_9] : memref<8192x128xf32, #tpu.memory_space<hbm>> -> memref<256x128xf32, #tpu.memory_space<hbm>>
      tpu.enqueue_dma source(%arg6 : memref<256x128xf32, #tpu.memory_space<vmem>>) target(%dma_start3A_10 : memref<256x128xf32, #tpu.memory_space<hbm>>) target_semaphore(%run_scoped3A : memref<!tpu.dma_semaphore, #tpu.memory_space<semaphore_mem>>)
      %dma_wait3A_11 = arith.constant 0 : i32
      %dma_wait3A_12 = tpu.memref_slice %arg4[%mul3A_2, %dma_wait3A_11] : memref<8192x128xf32, #tpu.memory_space<hbm>> -> memref<256x128xf32, #tpu.memory_space<hbm>>
      %dma_wait3A_13 = arith.constant 0 : i32
      %dma_wait3A_14 = tpu.memref_slice %arg4[%mul3A_2, %dma_wait3A_13] : memref<8192x128xf32, #tpu.memory_space<hbm>> -> memref<256x128xf32, #tpu.memory_space<hbm>>
      tpu.wait_dma2 semaphore(%run_scoped3A : memref<!tpu.dma_semaphore, #tpu.memory_space<semaphore_mem>>) src(%arg6 : memref<256x128xf32, #tpu.memory_space<vmem>>) dst(%dma_wait3A_14 : memref<256x128xf32, #tpu.memory_space<hbm>>)
      tpu.yield
    }) : () -> ()
    return
  }
}

module attributes {stable_mosaic.version = 14 : i64} {
  func.func @_vq_block(%arg0: i32, %arg1: memref<4096x32xf32, #tpu.memory_space<vmem>>, %arg2: memref<512x32xf32, #tpu.memory_space<vmem>>, %arg3: memref<4096x1xi32, #tpu.memory_space<vmem>>, %arg4: memref<512x128xf32, #tpu.memory_space<vmem>>) attributes {dimension_semantics = [#tpu.dimension_semantics<arbitrary>], iteration_bounds = array<i64: 2>, scalar_prefetch = 0 : i64, scratch_operands = 0 : i64, tpu.core_type = #tpu.core_type<tc>, window_params = [{transform_indices = @transform_0, window_bounds = array<i64: 4096, 32>}, {pipeline_mode = #tpu.pipeline_mode<synchronous>, transform_indices = @transform_1, window_bounds = array<i64: 512, 32>}, {transform_indices = @transform_2, window_bounds = array<i64: 4096, 1>}, {pipeline_mode = #tpu.pipeline_mode<synchronous>, transform_indices = @transform_3, window_bounds = array<i64: 512, 128>}]} {
    %get3A = arith.constant 0 : index
    %get3A_0 = arith.constant 0 : index
    %get3A_1 = vector.load %arg1[%get3A, %get3A_0] : memref<4096x32xf32, #tpu.memory_space<vmem>>, vector<4096x32xf32>
    %get3A_2 = arith.constant 0 : index
    %get3A_3 = arith.constant 0 : index
    %get3A_4 = vector.load %arg2[%get3A_2, %get3A_3] : memref<512x32xf32, #tpu.memory_space<vmem>>, vector<512x32xf32>
    %convert_element_type3A = arith.truncf %get3A_4 : vector<512x32xf32> to vector<512x32xbf16>
    %convert_element_type3A_5 = arith.extf %convert_element_type3A : vector<512x32xbf16> to vector<512x32xf32>
    %sub3A = arith.subf %get3A_4, %convert_element_type3A_5 : vector<512x32xf32>
    %convert_element_type3A_6 = arith.truncf %sub3A : vector<512x32xf32> to vector<512x32xbf16>
    %convert_element_type3A_7 = arith.extf %convert_element_type3A_6 : vector<512x32xbf16> to vector<512x32xf32>
    %sub3A_8 = arith.subf %sub3A, %convert_element_type3A_7 : vector<512x32xf32>
    %convert_element_type3A_9 = arith.truncf %sub3A_8 : vector<512x32xf32> to vector<512x32xbf16>
    %convert_element_type3A_10 = arith.truncf %get3A_1 : vector<4096x32xf32> to vector<4096x32xbf16>
    %convert_element_type3A_11 = arith.extf %convert_element_type3A_10 : vector<4096x32xbf16> to vector<4096x32xf32>
    %sub3A_12 = arith.subf %get3A_1, %convert_element_type3A_11 : vector<4096x32xf32>
    %convert_element_type3A_13 = arith.truncf %sub3A_12 : vector<4096x32xf32> to vector<4096x32xbf16>
    %broadcast_in_dim3A = arith.constant 1.000000e+00 : bf16
    %broadcast_in_dim3A_14 = vector.broadcast %broadcast_in_dim3A : bf16 to vector<4096x32xbf16>
    %mul3A = arith.mulf %get3A_4, %get3A_4 : vector<512x32xf32>
    %convert_element_type3A_15 = arith.truncf %mul3A : vector<512x32xf32> to vector<512x32xbf16>
    %convert_element_type3A_16 = arith.extf %convert_element_type3A_15 : vector<512x32xbf16> to vector<512x32xf32>
    %sub3A_17 = arith.subf %mul3A, %convert_element_type3A_16 : vector<512x32xf32>
    %convert_element_type3A_18 = arith.truncf %sub3A_17 : vector<512x32xf32> to vector<512x32xbf16>
    %concatenate3A = tpu.concatenate %broadcast_in_dim3A_14, %broadcast_in_dim3A_14, %convert_element_type3A_10, %convert_element_type3A_10, %convert_element_type3A_13, %convert_element_type3A_10, %convert_element_type3A_13 in 1 : vector<4096x32xbf16>, vector<4096x32xbf16>, vector<4096x32xbf16>, vector<4096x32xbf16>, vector<4096x32xbf16>, vector<4096x32xbf16>, vector<4096x32xbf16> -> vector<4096x224xbf16>
    %mul3A_19 = arith.constant -2.000000e+00 : bf16
    %mul3A_20 = vector.broadcast %mul3A_19 : bf16 to vector<512x32xbf16>
    %mul3A_21 = arith.mulf %mul3A_20, %convert_element_type3A : vector<512x32xbf16>
    %mul3A_22 = arith.constant -2.000000e+00 : bf16
    %mul3A_23 = vector.broadcast %mul3A_22 : bf16 to vector<512x32xbf16>
    %mul3A_24 = arith.mulf %mul3A_23, %convert_element_type3A_6 : vector<512x32xbf16>
    %mul3A_25 = arith.constant -2.000000e+00 : bf16
    %mul3A_26 = vector.broadcast %mul3A_25 : bf16 to vector<512x32xbf16>
    %mul3A_27 = arith.mulf %mul3A_26, %convert_element_type3A : vector<512x32xbf16>
    %mul3A_28 = arith.constant -2.000000e+00 : bf16
    %mul3A_29 = vector.broadcast %mul3A_28 : bf16 to vector<512x32xbf16>
    %mul3A_30 = arith.mulf %mul3A_29, %convert_element_type3A_9 : vector<512x32xbf16>
    %mul3A_31 = arith.constant -2.000000e+00 : bf16
    %mul3A_32 = vector.broadcast %mul3A_31 : bf16 to vector<512x32xbf16>
    %mul3A_33 = arith.mulf %mul3A_32, %convert_element_type3A_6 : vector<512x32xbf16>
    %concatenate3A_34 = tpu.concatenate %convert_element_type3A_15, %convert_element_type3A_18, %mul3A_21, %mul3A_24, %mul3A_27, %mul3A_30, %mul3A_33 in 1 : vector<512x32xbf16>, vector<512x32xbf16>, vector<512x32xbf16>, vector<512x32xbf16>, vector<512x32xbf16>, vector<512x32xbf16>, vector<512x32xbf16> -> vector<512x224xbf16>
    %dot_general3A = arith.constant dense<0.000000e+00> : vector<4096x512xf32>
    %dot_general3A_35 = tpu.matmul %concatenate3A, %concatenate3A_34, %dot_general3A {dimension_numbers = #tpu.dot_dimension_numbers<[1], [1], [0], [0], [0, 0, 1, 0], [], []>, transpose_lhs_hint = false} : vector<4096x224xbf16>, vector<512x224xbf16>, vector<4096x512xf32> -> vector<4096x512xf32>
    %iota3A = tpu.iota {dimensions = array<i32: 1>} : vector<4096x512xi32>
    %reduce_min3A = arith.constant dense<0x7F800000> : vector<4096xf32>
    %reduce_min3A_36 = vector.multi_reduction <minimumf>, %dot_general3A_35, %reduce_min3A [1] : vector<4096x512xf32> to vector<4096xf32>
    %broadcast_in_dim3A_37 = vector.shape_cast %reduce_min3A_36 : vector<4096xf32> to vector<4096x1xf32>
    %eq3A = vector.broadcast %broadcast_in_dim3A_37 : vector<4096x1xf32> to vector<4096x512xf32>
    %eq3A_38 = arith.cmpf oeq, %dot_general3A_35, %eq3A : vector<4096x512xf32>
    %jit3A = arith.constant 512 : i32
    %broadcast_in_dim3A_39 = vector.broadcast %jit3A : i32 to vector<4096x512xi32>
    %select_n3A = arith.select %eq3A_38, %iota3A, %broadcast_in_dim3A_39 : vector<4096x512xi1>, vector<4096x512xi32>
    %reduce_min3A_40 = arith.constant dense<2147483647> : vector<4096xi32>
    %reduce_min3A_41 = vector.multi_reduction <minsi>, %select_n3A, %reduce_min3A_40 [1] : vector<4096x512xi32> to vector<4096xi32>
    %broadcast_in_dim3A_42 = vector.shape_cast %reduce_min3A_41 : vector<4096xi32> to vector<4096x1xi32>
    %eq3A_43 = vector.broadcast %broadcast_in_dim3A_42 : vector<4096x1xi32> to vector<4096x512xi32>
    %eq3A_44 = arith.cmpi eq, %iota3A, %eq3A_43 : vector<4096x512xi32>
    %jit3A_45 = arith.constant 0x7F800000 : f32
    %broadcast_in_dim3A_46 = vector.broadcast %jit3A_45 : f32 to vector<4096x512xf32>
    %select_n3A_47 = arith.select %eq3A_44, %broadcast_in_dim3A_46, %dot_general3A_35 : vector<4096x512xi1>, vector<4096x512xf32>
    %reduce_min3A_48 = arith.constant dense<0x7F800000> : vector<4096xf32>
    %reduce_min3A_49 = vector.multi_reduction <minimumf>, %select_n3A_47, %reduce_min3A_48 [1] : vector<4096x512xf32> to vector<4096xf32>
    %broadcast_in_dim3A_50 = vector.shape_cast %reduce_min3A_49 : vector<4096xf32> to vector<4096x1xf32>
    %eq3A_51 = vector.broadcast %broadcast_in_dim3A_50 : vector<4096x1xf32> to vector<4096x512xf32>
    %eq3A_52 = arith.cmpf oeq, %select_n3A_47, %eq3A_51 : vector<4096x512xf32>
    %jit3A_53 = arith.constant 512 : i32
    %broadcast_in_dim3A_54 = vector.broadcast %jit3A_53 : i32 to vector<4096x512xi32>
    %select_n3A_55 = arith.select %eq3A_52, %iota3A, %broadcast_in_dim3A_54 : vector<4096x512xi1>, vector<4096x512xi32>
    %reduce_min3A_56 = arith.constant dense<2147483647> : vector<4096xi32>
    %reduce_min3A_57 = vector.multi_reduction <minsi>, %select_n3A_55, %reduce_min3A_56 [1] : vector<4096x512xi32> to vector<4096xi32>
    %broadcast_in_dim3A_58 = vector.shape_cast %reduce_min3A_57 : vector<4096xi32> to vector<4096x1xi32>
    %eq3A_59 = vector.broadcast %broadcast_in_dim3A_42 : vector<4096x1xi32> to vector<4096x512xi32>
    %eq3A_60 = arith.cmpi eq, %iota3A, %eq3A_59 : vector<4096x512xi32>
    %convert_element_type3A_61 = arith.extui %eq3A_60 : vector<4096x512xi1> to vector<4096x512xi32>
    %convert_element_type3A_62 = arith.sitofp %convert_element_type3A_61 : vector<4096x512xi32> to vector<4096x512xf32>
    %convert_element_type3A_63 = arith.truncf %convert_element_type3A_62 : vector<4096x512xf32> to vector<4096x512xbf16>
    %eq3A_64 = vector.broadcast %broadcast_in_dim3A_58 : vector<4096x1xi32> to vector<4096x512xi32>
    %eq3A_65 = arith.cmpi eq, %iota3A, %eq3A_64 : vector<4096x512xi32>
    %convert_element_type3A_66 = arith.extui %eq3A_65 : vector<4096x512xi1> to vector<4096x512xi32>
    %convert_element_type3A_67 = arith.sitofp %convert_element_type3A_66 : vector<4096x512xi32> to vector<4096x512xf32>
    %convert_element_type3A_68 = arith.truncf %convert_element_type3A_67 : vector<4096x512xf32> to vector<4096x512xbf16>
    %concatenate3A_69 = tpu.concatenate %convert_element_type3A, %convert_element_type3A_6, %convert_element_type3A_9 in 1 : vector<512x32xbf16>, vector<512x32xbf16>, vector<512x32xbf16> -> vector<512x96xbf16>
    %dot_general3A_70 = arith.constant dense<0.000000e+00> : vector<4096x96xf32>
    %dot_general3A_71 = tpu.matmul %convert_element_type3A_63, %concatenate3A_69, %dot_general3A_70 {dimension_numbers = #tpu.dot_dimension_numbers<[1], [0], [0], [1], [0, 0, 1, 1], [], []>, transpose_lhs_hint = false} : vector<4096x512xbf16>, vector<512x96xbf16>, vector<4096x96xf32> -> vector<4096x96xf32>
    %dot_general3A_72 = arith.constant dense<0.000000e+00> : vector<4096x96xf32>
    %dot_general3A_73 = tpu.matmul %convert_element_type3A_68, %concatenate3A_69, %dot_general3A_72 {dimension_numbers = #tpu.dot_dimension_numbers<[1], [0], [0], [1], [0, 0, 1, 1], [], []>, transpose_lhs_hint = false} : vector<4096x512xbf16>, vector<512x96xbf16>, vector<4096x96xf32> -> vector<4096x96xf32>
    %slice3A = vector.extract_strided_slice %dot_general3A_71 {offsets = [0, 0], sizes = [4096, 32], strides = [1, 1]} : vector<4096x96xf32> to vector<4096x32xf32>
    %slice3A_74 = vector.extract_strided_slice %dot_general3A_71 {offsets = [0, 32], sizes = [4096, 32], strides = [1, 1]} : vector<4096x96xf32> to vector<4096x32xf32>
    %add3A = arith.addf %slice3A, %slice3A_74 : vector<4096x32xf32>
    %slice3A_75 = vector.extract_strided_slice %dot_general3A_71 {offsets = [0, 64], sizes = [4096, 32], strides = [1, 1]} : vector<4096x96xf32> to vector<4096x32xf32>
    %add3A_76 = arith.addf %add3A, %slice3A_75 : vector<4096x32xf32>
    %slice3A_77 = vector.extract_strided_slice %dot_general3A_73 {offsets = [0, 0], sizes = [4096, 32], strides = [1, 1]} : vector<4096x96xf32> to vector<4096x32xf32>
    %slice3A_78 = vector.extract_strided_slice %dot_general3A_73 {offsets = [0, 32], sizes = [4096, 32], strides = [1, 1]} : vector<4096x96xf32> to vector<4096x32xf32>
    %add3A_79 = arith.addf %slice3A_77, %slice3A_78 : vector<4096x32xf32>
    %slice3A_80 = vector.extract_strided_slice %dot_general3A_73 {offsets = [0, 64], sizes = [4096, 32], strides = [1, 1]} : vector<4096x96xf32> to vector<4096x32xf32>
    %add3A_81 = arith.addf %add3A_79, %slice3A_80 : vector<4096x32xf32>
    %sub3A_82 = arith.subf %get3A_1, %add3A_76 : vector<4096x32xf32>
    %integer_pow3A = arith.mulf %sub3A_82, %sub3A_82 : vector<4096x32xf32>
    %slice3A_83 = vector.extract_strided_slice %integer_pow3A {offsets = [0, 0], sizes = [4096, 8], strides = [1, 1]} : vector<4096x32xf32> to vector<4096x8xf32>
    %slice3A_84 = vector.extract_strided_slice %integer_pow3A {offsets = [0, 8], sizes = [4096, 8], strides = [1, 1]} : vector<4096x32xf32> to vector<4096x8xf32>
    %add3A_85 = arith.addf %slice3A_83, %slice3A_84 : vector<4096x8xf32>
    %slice3A_86 = vector.extract_strided_slice %integer_pow3A {offsets = [0, 16], sizes = [4096, 8], strides = [1, 1]} : vector<4096x32xf32> to vector<4096x8xf32>
    %add3A_87 = arith.addf %add3A_85, %slice3A_86 : vector<4096x8xf32>
    %slice3A_88 = vector.extract_strided_slice %integer_pow3A {offsets = [0, 24], sizes = [4096, 8], strides = [1, 1]} : vector<4096x32xf32> to vector<4096x8xf32>
    %add3A_89 = arith.addf %add3A_87, %slice3A_88 : vector<4096x8xf32>
    %slice3A_90 = vector.extract_strided_slice %add3A_89 {offsets = [0, 0], sizes = [4096, 4], strides = [1, 1]} : vector<4096x8xf32> to vector<4096x4xf32>
    %slice3A_91 = vector.extract_strided_slice %add3A_89 {offsets = [0, 4], sizes = [4096, 4], strides = [1, 1]} : vector<4096x8xf32> to vector<4096x4xf32>
    %add3A_92 = arith.addf %slice3A_90, %slice3A_91 : vector<4096x4xf32>
    %slice3A_93 = vector.extract_strided_slice %add3A_92 {offsets = [0, 0], sizes = [4096, 2], strides = [1, 1]} : vector<4096x4xf32> to vector<4096x2xf32>
    %slice3A_94 = vector.extract_strided_slice %add3A_92 {offsets = [0, 2], sizes = [4096, 2], strides = [1, 1]} : vector<4096x4xf32> to vector<4096x2xf32>
    %add3A_95 = arith.addf %slice3A_93, %slice3A_94 : vector<4096x2xf32>
    %slice3A_96 = vector.extract_strided_slice %add3A_95 {offsets = [0, 0], sizes = [4096, 1], strides = [1, 1]} : vector<4096x2xf32> to vector<4096x1xf32>
    %slice3A_97 = vector.extract_strided_slice %add3A_95 {offsets = [0, 1], sizes = [4096, 1], strides = [1, 1]} : vector<4096x2xf32> to vector<4096x1xf32>
    %add3A_98 = arith.addf %slice3A_96, %slice3A_97 : vector<4096x1xf32>
    %sub3A_99 = arith.subf %get3A_1, %add3A_81 : vector<4096x32xf32>
    %integer_pow3A_100 = arith.mulf %sub3A_99, %sub3A_99 : vector<4096x32xf32>
    %slice3A_101 = vector.extract_strided_slice %integer_pow3A_100 {offsets = [0, 0], sizes = [4096, 8], strides = [1, 1]} : vector<4096x32xf32> to vector<4096x8xf32>
    %slice3A_102 = vector.extract_strided_slice %integer_pow3A_100 {offsets = [0, 8], sizes = [4096, 8], strides = [1, 1]} : vector<4096x32xf32> to vector<4096x8xf32>
    %add3A_103 = arith.addf %slice3A_101, %slice3A_102 : vector<4096x8xf32>
    %slice3A_104 = vector.extract_strided_slice %integer_pow3A_100 {offsets = [0, 16], sizes = [4096, 8], strides = [1, 1]} : vector<4096x32xf32> to vector<4096x8xf32>
    %add3A_105 = arith.addf %add3A_103, %slice3A_104 : vector<4096x8xf32>
    %slice3A_106 = vector.extract_strided_slice %integer_pow3A_100 {offsets = [0, 24], sizes = [4096, 8], strides = [1, 1]} : vector<4096x32xf32> to vector<4096x8xf32>
    %add3A_107 = arith.addf %add3A_105, %slice3A_106 : vector<4096x8xf32>
    %slice3A_108 = vector.extract_strided_slice %add3A_107 {offsets = [0, 0], sizes = [4096, 4], strides = [1, 1]} : vector<4096x8xf32> to vector<4096x4xf32>
    %slice3A_109 = vector.extract_strided_slice %add3A_107 {offsets = [0, 4], sizes = [4096, 4], strides = [1, 1]} : vector<4096x8xf32> to vector<4096x4xf32>
    %add3A_110 = arith.addf %slice3A_108, %slice3A_109 : vector<4096x4xf32>
    %slice3A_111 = vector.extract_strided_slice %add3A_110 {offsets = [0, 0], sizes = [4096, 2], strides = [1, 1]} : vector<4096x4xf32> to vector<4096x2xf32>
    %slice3A_112 = vector.extract_strided_slice %add3A_110 {offsets = [0, 2], sizes = [4096, 2], strides = [1, 1]} : vector<4096x4xf32> to vector<4096x2xf32>
    %add3A_113 = arith.addf %slice3A_111, %slice3A_112 : vector<4096x2xf32>
    %slice3A_114 = vector.extract_strided_slice %add3A_113 {offsets = [0, 0], sizes = [4096, 1], strides = [1, 1]} : vector<4096x2xf32> to vector<4096x1xf32>
    %slice3A_115 = vector.extract_strided_slice %add3A_113 {offsets = [0, 1], sizes = [4096, 1], strides = [1, 1]} : vector<4096x2xf32> to vector<4096x1xf32>
    %add3A_116 = arith.addf %slice3A_114, %slice3A_115 : vector<4096x1xf32>
    %lt3A = arith.cmpf olt, %add3A_116, %add3A_98 : vector<4096x1xf32>
    %eq3A_117 = arith.cmpf oeq, %add3A_116, %add3A_98 : vector<4096x1xf32>
    %lt3A_118 = arith.cmpi slt, %broadcast_in_dim3A_58, %broadcast_in_dim3A_42 : vector<4096x1xi32>
    %and3A = arith.andi %eq3A_117, %lt3A_118 : vector<4096x1xi1>
    %or3A = arith.ori %lt3A, %and3A : vector<4096x1xi1>
    %select_n3A_119 = arith.select %or3A, %broadcast_in_dim3A_58, %broadcast_in_dim3A_42 : vector<4096x1xi1>, vector<4096x1xi32>
    %swap3A = arith.constant 0 : index
    %swap3A_120 = arith.constant 0 : index
    %swap3A_121 = vector.load %arg3[%swap3A, %swap3A_120] : memref<4096x1xi32, #tpu.memory_space<vmem>>, vector<4096x1xi32>
    tpu.vector_store %arg3[%swap3A, %swap3A_120], %select_n3A_119 {strides = array<i32>} : memref<4096x1xi32, #tpu.memory_space<vmem>>, vector<4096x1xi32>,
    %eq3A_122 = arith.constant 0 : i32
    %eq3A_123 = arith.cmpi eq, %arg0, %eq3A_122 : i32
    %convert_element_type3A_124 = arith.extui %eq3A_123 : i1 to i32
    %cond3A = arith.constant 0 : i32
    %cond3A_125 = arith.cmpi ne, %convert_element_type3A_124, %cond3A : i32
    scf.if %cond3A_125 {
      %jit3A_126 = arith.constant 0 : i32
      %convert_element_type3A_127 = arith.sitofp %jit3A_126 : i32 to f32
      %pad3A = vector.broadcast %convert_element_type3A_127 : f32 to vector<512x96xf32>
      %pad3A_128 = tpu.concatenate %get3A_4, %pad3A in 1 : vector<512x32xf32>, vector<512x96xf32> -> vector<512x128xf32>
      %swap3A_129 = arith.constant 0 : index
      %swap3A_130 = arith.constant 0 : index
      %swap3A_131 = vector.load %arg4[%swap3A_129, %swap3A_130] : memref<512x128xf32, #tpu.memory_space<vmem>>, vector<512x128xf32>
      tpu.vector_store %arg4[%swap3A_129, %swap3A_130], %pad3A_128 {strides = array<i32>} : memref<512x128xf32, #tpu.memory_space<vmem>>, vector<512x128xf32>,
    } else {
    }
    return
  }
  func.func @transform_0(%arg0: i32) -> (i32, i32) {
    %c0_i32 = arith.constant 0 : i32
    %c0_i32_0 = arith.constant 0 : i32
    return %arg0, %c0_i32 : i32, i32
  }
  func.func @transform_1(%arg0: i32) -> (i32, i32) {
    %c0_i32 = arith.constant 0 : i32
    %c0_i32_0 = arith.constant 0 : i32
    %c0_i32_1 = arith.constant 0 : i32
    return %c0_i32, %c0_i32_0 : i32, i32
  }
  func.func @transform_2(%arg0: i32) -> (i32, i32) {
    %c0_i32 = arith.constant 0 : i32
    %c0_i32_0 = arith.constant 0 : i32
    return %arg0, %c0_i32 : i32, i32
  }
  func.func @transform_3(%arg0: i32) -> (i32, i32) {
    %c0_i32 = arith.constant 0 : i32
    %c0_i32_0 = arith.constant 0 : i32
    %c0_i32_1 = arith.constant 0 : i32
    return %c0_i32, %c0_i32_0 : i32, i32
  }
}

</mosaic_0001>

<sc_bundles>
// kernel: _vq.4.cloned.1.call-start
scs
__scs_entry_jumppad:
0x0: {  	(pc) =	sbr.rel $0x88, $3  }
0x1: {  	(tag) =	ssettag $0x0;
	lr =	simm.s32 $0x1  }
0x2: {  	[smem:$0x3F9F] =	sst lr;
	_ =	strace $0xD0000000  }
0x3: {  	_ = 	snop  }
0x4: {  	_ = 	snop  }
0x5: {  	_ = 	snop  }
0x6: {  	_ = 	snop  }
0x7: {  	_ = 	snop  }
__scs_overlays_trampoline_lowered:
0x8: {  	[smem:$0x3FAE] =	sst s0  }
0x9: {  	[smem:$0x3FAF] =	sst s1  }
0xa: {  	[smem:$0x3FB0] =	sst s2  }
0xb: {  	[smem:$0x3FB1] =	sst s3  }
0xc: {  	[smem:$0x3FB2] =	sst s4  }
0xd: {  	[smem:$0x3FB3] =	sst s5  }
0xe: {  	[smem:$0x3FB4] =	sst s6  }
0xf: {  	[smem:$0x3FB5] =	sst s7  }
0x10: {  	[smem:$0x3FB6] =	sst s8  }
0x11: {  	[smem:$0x3FB7] =	sst s9;
	s0 =	simm.s32 @!p0 $0x0  }
0x12: {  	s1 =	sld [smem:$0x3F9D];
	s0 =	simm.s32 @p0 $0x1  }
0x13: {  	[smem:$0x3FB8] =	sst s0;
	s0 =	simm.s32 @!p1 $0x0  }
0x14: {  	s2 =	sld [smem:$0x3F9C];
	s0 =	simm.s32 @p1 $0x1  }
0x15: {  	[smem:$0x3FB9] =	sst s0;
	s0 =	simm.s32 @!p2 $0x0  }
0x16: {  	s3 =	sld [smem:$0x3FDB];
	s0 =	simm.s32 @p2 $0x1  }
0x17: {  	s4 =	simm.s32 $0x1BF5;
	[smem:$0x3FBB] =	sst s0  }
0x18: {  	s0 =	sld [smem:$0x3F9E];
	_ =	swait.ge [sflag:s4], $0x0  }
0x19: {  	s7 =	sld [smem:$0x3F9F]  }
0x1a: {  	s8 =	sadd.s32 $0xFFFFE003, lr  }
0x1b: {  	s9 =	sadd.s32 $0xFFFFFEF7, lr;
	s5 =	simm.s32 $0xFFFFFFFF;
	p2 =	slt.u32 s8, $0xFFFFF086  }
0x1c: {  	p1 =	slt.u32 s9, $0xF7A;
	s5 =	simm.s32 @!p2 $0x0  }
0x1d: {  	s5 =	simm.s32 @p1 $0x1;
	p0 =	seq.s32 s7, s2  }
0x1e: {  	s7 =	smul.u32 @!p0 $0xF7A, s2;
	p2 =	seq.s32 @!p0 s5, $0x0  }
0x1f: {  	s9 =	smul.u32 $0xF7A, s1;
	s8 =	simm.s32 @!p0 $0x1BF5;
	p2 =	por !p2, p0  }
0x20: {  	[sflag:s8] =	ssyncset.s32 @!p0 $0xFFFFF086;
	s6 =	sadd.s32 @!p0 s3, s7;
	s7 =	simm.s32 @!p0 $0x108  }
0x21: {  	s3 =	sadd.s32 s3, s9;
	s6 =	sadd.s32 @!p0 $0x88, s6;
	s7 =	simm.s32 @p2 $0x1082  }
0x22: {  	[simem:s7], [sflag:s8] =	dma.local @!p0 [hbm:s6], $0xF7A  }
0x23: {  	s9 =	sor.u32 $0xD0000000, s2;
	s6 =	simm.s32 $0x108;
	_ =	swait.ge @!p0 [sflag:s8], $0x0  }
0x24: {  	s3 =	sadd.s32 $0x88, s3;
	s6 =	simm.s32 @!p1 $0x1082;
	[sflag:s4] =	ssyncset.s32 $0xFFFFF086  }
0x25: {  	[simem:s6], [sflag:s4] =	dma.local [hbm:s3], $0xF7A  }
0x26: {  	[smem:$0x3F9F] =	sst s1;
	(tag) =	ssettag s2;
	_ =	strace s9  }
0x27: {  	s1 =	sld [smem:$0x3FAF]  }
0x28: {  	s2 =	sld [smem:$0x3FB0]  }
0x29: {  	s4 =	sld [smem:$0x3FB2]  }
0x2a: {  	p0 =	seq.s32 s5, $0x0;
	s5 =	sld [smem:$0x3FB3]  }
0x2b: {  	s6 =	sld [smem:$0x3FB4]  }
0x2c: {  	s7 =	sld [smem:$0x3FB5]  }
0x2d: {  	s3 =	simm.s32 $0x108;
	s8 =	sld [smem:$0x3FB6]  }
0x2e: {  	s3 =	simm.s32 @!p0 $0x1082;
	s9 =	sld [smem:$0x3FB7]  }
0x2f: {  	lr =	sadd.s32 s0, s3;
	s0 =	sld [smem:$0x3FAE]  }
0x30: {  	s3 =	sld [smem:$0x3FB1]  }
0x31: {  	[smem:$0x3FBA] =	sst s10  }
0x32: {  	s10 =	sld [smem:$0x3FB8];
	_ =	sdelay $0x3  }
0x33: {  	p0 =	seq.s32 s10, $0x1;
	s10 =	sld [smem:$0x3FBA];
	_ =	sdelay $0x3  }
0x34: {  	[smem:$0x3FBA] =	sst s10  }
0x35: {  	s10 =	sld [smem:$0x3FB9];
	_ =	sdelay $0x3  }
0x36: {  	p1 =	seq.s32 s10, $0x1;
	s10 =	sld [smem:$0x3FBA];
	_ =	sdelay $0x3  }
0x37: {  	[smem:$0x3FBA] =	sst s10  }
0x38: {  	s10 =	sld [smem:$0x3FBB]  }
0x39: {  	_ = 	snop;
	(pc) =	sbr.ind lr, $3  }
0x3a: {  	_ = 	snop  }
0x3b: {  	_ = 	snop  }
0x3c: {  	p2 =	seq.s32 s10, $0x1;
	s10 =	sld [smem:$0x3FBA]  }
0x3d: {  	_ =	shalt  }
0x3e: {  	_ =	shalt  }
0x3f: {  	_ =	shalt  }
0x40: {  	_ =	shalt  }
0x41: {  	_ =	shalt  }
0x42: {  	_ =	shalt  }
0x43: {  	_ =	shalt  }
0x44: {  	_ =	shalt  }
0x45: {  	_ =	shalt  }
0x46: {  	_ =	shalt  }
0x47: {  	_ =	shalt  }
0x48: {  	_ =	shalt  }
0x49: {  	_ =	shalt  }
0x4a: {  	_ =	shalt  }
0x4b: {  	_ =	shalt  }
0x4c: {  	_ =	shalt  }
0x4d: {  	_ =	shalt  }
0x4e: {  	_ =	shalt  }
0x4f: {  	_ =	shalt  }
0x50: {  	_ =	shalt  }
0x51: {  	_ =	shalt  }
0x52: {  	_ =	shalt  }
0x53: {  	_ =	shalt  }
0x54: {  	_ =	shalt  }
0x55: {  	_ =	shalt  }
0x56: {  	_ =	shalt  }
0x57: {  	_ =	shalt  }
0x58: {  	_ =	shalt  }
0x59: {  	_ =	shalt  }
0x5a: {  	_ =	shalt  }
0x5b: {  	_ =	shalt  }
0x5c: {  	_ =	shalt  }
0x5d: {  	_ =	shalt  }
0x5e: {  	_ =	shalt  }
0x5f: {  	_ =	shalt  }
0x60: {  	_ =	shalt  }
0x61: {  	_ =	shalt  }
0x62: {  	_ =	shalt  }
0x63: {  	_ =	shalt  }
0x64: {  	_ =	shalt  }
0x65: {  	_ =	shalt  }
0x66: {  	_ =	shalt  }
0x67: {  	_ =	shalt  }
0x68: {  	_ =	shalt  }
0x69: {  	_ =	shalt  }
0x6a: {  	_ =	shalt  }
0x6b: {  	_ =	shalt  }
0x6c: {  	_ =	shalt  }
0x6d: {  	_ =	shalt  }
0x6e: {  	_ =	shalt  }
0x6f: {  	_ =	shalt  }
0x70: {  	_ =	shalt  }
0x71: {  	_ =	shalt  }
0x72: {  	_ =	shalt  }
0x73: {  	_ =	shalt  }
0x74: {  	_ =	shalt  }
0x75: {  	_ =	shalt  }
0x76: {  	_ =	shalt  }
0x77: {  	_ =	shalt  }
0x78: {  	_ =	shalt  }
0x79: {  	_ =	shalt  }
0x7a: {  	_ =	shalt  }
0x7b: {  	_ =	shalt  }
0x7c: {  	_ =	shalt  }
0x7d: {  	_ =	shalt  }
0x7e: {  	_ =	shalt  }
0x7f: {  	_ =	shalt  }
0x80: {  	_ =	shalt  }
0x81: {  	_ =	shalt  }
0x82: {  	_ =	shalt  }
0x83: {  	_ =	shalt  }
0x84: {  	_ =	shalt  }
0x85: {  	_ =	shalt  }
0x86: {  	_ =	shalt  }
0x87: {  	_ =	shalt  }
.Lfunc_end0:
.L_simem_size_0:
called_computation_lowered:
.L_overlay_start_0:
0x88: {  	s2 =	sld [smem:$0x3FD9]  }
0x89: {  	s3 =	sld [smem:$0x3FFE];
	_ =	sdelay $0x1  }
0x8a: {  	s1 =	srdreg.scid  }
0x8b: {  	s0 =	sand.u32 $0x1, s1  }
0x8c: {  	s14 =	sshll.u32 s0, $0xA;
	s2 =	sadd.s32 s3, s2  }
0x8d: {  	s2 =	sadd.s32 s2, s14  }
0x8e: {  	[smem:$0x3FC6] =	sst s2  }
0x8f: {  	_ = 	snop  }
0x90: {  	s2 =	sld [smem:$0x3FD0];
	_ =	sdelay $0x2  }
0x91: {  	s15 =	simm.s32 $0xA;
	s4 =	simm.s32 $0x10  }
0x92: {  	[smem:s4], [sflag:s15] =	dma.local [hbm:s2], $0x1  }
0x93: {  	_ =	swait.eq [sflag:s15], $0x1  }
0x94: {  	[sflag:s15] =	ssyncset.done $0x0  }
0x95: {  	[sflag:s15] =	ssyncadd.s32 $0xFFFFFFFF  }
0x96: {  	s16 =	sld [smem:$0x10];
	(tm) =	ssettm $0x1  }
0x97: {  	s17 =	sld [smem:$0x3FFB];
	_ =	sdelay $0x3  }
0x98: {  	_ =	strace s17  }
0x99: {  	s3 =	sld [smem:$0x3FFC];
	_ =	sdelay $0x3  }
0x9a: {  	_ =	strace s3  }
0x9b: {  	s3 =	sld [smem:$0x3FFD];
	_ =	sdelay $0x3  }
0x9c: {  	_ =	strace s3  }
0x9d: {  	_ =	strace $0x8FFFFFFF  }
0x9e: {  	s18 =	sld [smem:$0x3FDB];
	_ =	sdelay $0x1  }
0x9f: {  	s19 =	simm.s32 $_scs_section_size  }
0xa0: {  	s5 =	simm.s32 $_size__tile_overlayer_lowered;
	s6 =	simm.s32 $_tile_overlayer_lowered  }
0xa1: {  	s22 =	simm.s32 $0x1BFF;
	s21 =	sshll.u32 s6, $0x1;
	s3 =	sadd.s32 s19, s18  }
0xa2: {  	s7 =	simm.s32 $0x0;
	s20 =	sshll.u32 s5, $0x1;
	s5 =	sadd.s32 s21, s3  }
0xa3: {  	[timem:s7], [sflag:s22] =	dma.local [hbm:s5], s20  }
0xa4: {  	_ =	swait.ge [sflag:s22], s20  }
0xa5: {  	s4 =	ssub.s32 $0x0, s20;
	[sflag:s22] =	ssyncset.done $0x0  }
0xa6: {  	[sflag:s22] =	ssyncadd.s32 s4;
	_ =	sdelay $0x1  }
0xa7: {  	s23 =	simm.s32 $0x1B8B  }
0xa8: {  	_ =	swait.ge [sflag:s23], $0x1  }
0xa9: {  	[sflag:s23] =	ssyncset.done $0x0  }
0xaa: {  	s25 =	simm.s32 $0x1B8E;
	s24 =	sld [smem:$0x3FFE];
	[sflag:s23] =	ssyncadd.s32 $0xFFFFFFFF  }
0xab: {  	s26 =	simm.s32 $execute0_lowered;
	[smem:$0x3FD2] =	sst s25  }
0xac: {  	s5 =	sshll.u32 s26, $0x1;
	_ =	strace $0x80000046;
	[dreg:$0x1] =	wrdreg $0xFFFFFFFF  }
0xad: {  	s28 =	simm.s32 $_size_execute0_lowered;
	s3 =	sadd.s32 s3, s5;
	[dreg:$0x0] =	wrdreg $0x0  }
0xae: {  	s5 =	sshll.u32 s28, $0x1;
	[dreg:$0x2] =	wrdreg s3  }
0xaf: {  	[dreg:$0x3] =	wrdreg s5  }
0xb0: {  	[dreg:$0x4] =	wrdreg $0xC0  }
0xb1: {  	_ =	task [dreg:s7], $0x5FFFF  }
0xb2: {  	[dreg:$0x1] =	wrdreg $0xFFFFFFFF  }
0xb3: {  	[dreg:$0x0] =	wrdreg $0x60  }
0xb4: {  	[dreg:$0x2] =	wrdreg s24  }
0xb5: {  	[dreg:$0x3] =	wrdreg s16  }
0xb6: {  	[dreg:$0x4] =	wrdreg $0x9  }
0xb7: {  	_ =	task.clear_ibuf [dreg:s7], $0x5FFFF;
	_ =	strace $0x90000046  }
0xb8: {  	s29 =	simm.s32 $0x9;
	_ =	strace $0x80000048  }
0xb9: {  	_ =	swait.ge [sflag:s29], $0x1  }
0xba: {  	[sflag:s29] =	ssyncadd.s32 $0xFFFFFFFF  }
0xbb: {  	_ =	strace $0x90000048  }
0xbc: {  	_ =	sfence  }
0xbd: {  	s30 =	sld [smem:$0x0];
	_ =	sdelay $0x2  }
0xbe: {  	s31 =	sshll.u32 s1, $0xD;
	s1 =	sshrl.u32 s1, $0x2  }
0xbf: {  	s3 =	sand.u32 $0x4000, s31;
	s1 =	sadd.s32 s1, s30  }
0xc0: {  	s0 =	sor.u32 s3, s0;
	s1 =	sshll.u32 s1, $0x11  }
0xc1: {  	s0 =	sor.u32 s1, s0  }
0xc2: {  	s0 =	sadd.s32 $0x8F2B, s0  }
0xc3: {  	[sflag:s0] =	ssyncadd.remote.s32 $0x1  }
0xc4: {  	_ =	sfence.sel $0xFFFF  }
0xc5: {  	[dreg:$0x0] =	wrdreg $0xFFFFFFFF;
	(pc) =	sbr.abs _section_cstart, $3  }
0xc6: {  	[dreg:$0x1] =	wrdreg $0xFFFFFFFF  }
0xc7: {  	_ =	task.clear_ibuf [dreg:s7], $0x2FFFF;
	_ =	strace $0x9FFFFFFF  }
0xc8: {  	(tm) =	ssettm $0x7FFFFFFF  }
0xc9: {  	_ =	shalt  }
tec
execute0_lowered:
.L_overlay_start_1:
0x0: {  	(tag) =	ssettag $0x1  }
0x1: {  	s1 =	srdreg.scid  }
0x2: {  	s0 =	stileid.u32;
	s6 =	sand.u32 $0x1, s1  }
0x3: {  	s8 =	rddreg [dreg:$0x0];
	s30 =	sshll.u32 s0, $0x9;
	s3 =	sshll.u32 s6, $0x8  }
0x4: {  	s2 =	rddreg [dreg:$0x1];
	s7 =	simm.s32 $0x1;
	s9 =	sor.u32 s3, s30  }
0x5: {  	s1 =	rddreg [dreg:$0x2];
	s3 =	simm.s32 $0x0;
	s4 =	sshrl.u32 s9, $0x3  }
0x6: {  	s10 =	ssub.s32 $0x2, s6;
	[smem:$0x7FF] =	sst s3;
	s4 =	sadd.s32 s4, s8  }
0x7: {  	_ =	strace $0x80000047;
	s5 =	sadd.s32 $0x400, s4;
	s4 =	simm.s32 $0x2  }
0x8: {  	[tilespmem:s3], [sflag:$0x2] =	stream.linear.gather [hbm4b:s5+s3], $0x100, $0x38;
	[tilespmem:$0x8100] =	vst v63  }
0x9: {  	s6 =	simm.s32 $0x100;
	s11 =	sshrl.u32 s10, $0x1;
	_ =	swait.ge [sflag:s4], $0x100  }
0xa: {  	s9 =	sshll.u32 s9, $0x4;
	s31 =	ssub.s32 s10, s11;
	[sflag:s4] =	ssyncset.done $0x0  }
0xb: {  	s8 =	sadd.s32 s9, s8;
	s9 =	smax.u32 s31, $0x1;
	[sflag:s4] =	ssyncadd.s32 $0xFFFFFF00  }
0xc: {  	[tilespmem:s6], [sflag:$0x1] =	stream.indirect.gather [hbm4b:s2+s6], $0x80, s3, s6, $0xb8;
	[tilespmem:$0x8100] =	vst v63  }
0xd: {  	p0 =	sne.s32 s9, $0x1;
	_ =	swait.ge [sflag:s7], $0x8000  }
.Ltmp0:
0xe: {  	[sflag:s7] =	ssyncset.done $0x0;
	(pc) =	sbr.rel @!p0 .LBB2_2-.Ltmp0, $4  }
0xf: {  	s8 =	sadd.s32 $0x800, s8;
	[sflag:s7] =	ssyncadd.s32 $0xFFFF8000  }
0x10: {  	[hbm4b:s8+s3] =	stream.linear.scatter [tilespmem:s6], [sflag:$0x2], $0x8000, $0x38;
	[tilespmem:$0x8100] =	vst v63  }
0x11: {  	_ =	swait.ge [sflag:s4], $0x8000  }
0x12: {  	s9 =	sadd.s32 $0xFFFFFFFF, s9;
	[sflag:s4] =	ssyncset.done $0x0  }
.LBB2_1:
0x13: {  	p0 =	sne.s32 s9, $0x1;
	s9 =	sadd.s32 $0xFFFFFFFF, s9;
	[sflag:s4] =	ssyncadd.s32 $0xFFFF8000  }
0x14: {  	[tilespmem:s3], [sflag:$0x2] =	stream.linear.gather [hbm4b:s5+s3], $0x100, $0x38;
	[tilespmem:$0x8100] =	vst v63  }
0x15: {  	_ =	swait.ge [sflag:s4], $0x100  }
0x16: {  	[sflag:s4] =	ssyncset.done $0x0  }
0x17: {  	[sflag:s4] =	ssyncadd.s32 $0xFFFFFF00  }
0x18: {  	[tilespmem:s6], [sflag:$0x1] =	stream.indirect.gather [hbm4b:s2+s6], $0x80, s3, s6, $0xb8;
	[tilespmem:$0x8100] =	vst v63  }
0x19: {  	_ =	swait.ge [sflag:s7], $0x8000  }
.Ltmp1:
0x1a: {  	[sflag:s7] =	ssyncset.done $0x0;
	(pc) =	sbr.rel @p0 .LBB2_1-.Ltmp1, $4  }
0x1b: {  	[sflag:s7] =	ssyncadd.s32 $0xFFFF8000  }
0x1c: {  	[hbm4b:s8+s3] =	stream.linear.scatter [tilespmem:s6], [sflag:$0x2], $0x8000, $0x38;
	[tilespmem:$0x8100] =	vst v63  }
0x1d: {  	_ =	swait.ge [sflag:s4], $0x8000  }
0x1e: {  	[sflag:s4] =	ssyncset.done $0x0  }
.LBB2_2:
0x1f: {  	[sflag:s4] =	ssyncadd.s32 $0xFFFF8000  }
0x20: {  	_ =	sfence.sel $0x180000  }
0x21: {  	[bflag:$0x0] =	sbarrier.arrive $0xFFFF  }
0x22: {  	p0 =	sne.s32 s0, $0x0;
	_ =	strace $0x90000047  }
0x23: {  	s0 =	sadd.s32 @!p0 $0x100000, s1;
	[bflag:$0x2] =	sbarrier.arrive $0xFFFF  }
0x24: {  	[sflag:s0] =	ssyncadd.tile.s32 @!p0 $0x1;
	_ =	shalt  }
.Lfunc_end2:
_tile_overlayer_lowered:
.L_overlay_start_2:
0x25: {  	(tag) =	ssettag $0x2  }
0x26: {  	s0 =	rddreg [dreg:$0x0];
	s2 =	stileid.u32  }
0x27: {  	s1 =	rddreg [dreg:$0x1];
	p0 =	sne.s32 s2, $0x0  }
0x28: {  	s3 =	rddreg [dreg:$0x2];
	[bflag:$0x3] =	sbarrier.arrive $0xFFFF;
	s2 =	simm.s32 @!p0 $0x1C02  }
0x29: {  	[timem:s3], [sflag:s2] =	dma.local @!p0 [hbm:s0], s1  }
0x2a: {  	s0 =	simm.s32 @!p0 $0x2  }
0x2b: {  	_ =	swait.ge @!p0 [sflag:s0], s1  }
0x2c: {  	s1 =	ssub.s32 @!p0 $0x0, s1;
	[sflag:s0] =	ssyncset.done @!p0 $0x0  }
0x2d: {  	[sflag:s0] =	ssyncadd.s32 @!p0 s1  }
0x2e: {  	[bflag:$0x3] =	sbarrier.arrive $0xFFFF  }
0x2f: {  	_ =	shalt  }

</sc_bundles>
